<compile_context>
chip_gen: v7x
topology: tpu7x:2x2x1
jax: 0.10.2.dev20260603
libtpu: 0.0.44.dev20260713+nightly
codegen_flags: <defaults>
</compile_context>

<pallas_src>
import functools

import jax
import jax.numpy as jnp
from jax import lax
from jax.experimental import pallas as pl
from jax.experimental.pallas import tpu as pltpu
from jax.experimental.pallas import tpu_sc as plsc

N = 1024
CHANNEL = 64
CLASS_NUM = 100000
ALPHA = 0.85
T = 1.0

ROWS2 = CLASS_NUM // 2
BLK = 4000
NBLK = CLASS_NUM // BLK


def _gather_pairs_sc(bank2, label):
    info = plsc.get_sparse_core_info()
    num_workers = info.num_cores * info.num_subcores
    b_per_w = N // num_workers
    mesh = plsc.VectorSubcoreMesh(core_axis_name="c", subcore_axis_name="s")

    @functools.partial(
        pl.kernel,
        mesh=mesh,
        out_type=jax.ShapeDtypeStruct((N, 2 * CHANNEL), jnp.float32),
        scratch_types=[
            pltpu.VMEM((b_per_w,), jnp.int32),
            pltpu.VMEM((b_per_w,), jnp.int32),
            pltpu.VMEM((b_per_w, 2 * CHANNEL), jnp.float32),
            pltpu.SemaphoreType.DMA,
        ],
        compiler_params=pltpu.CompilerParams(use_tc_tiling_on_sc=True),
    )
    def gather_kernel(label_hbm, bank_hbm, out_hbm, idx_v, pidx_v, rows_v,
                      sem):
        wid = lax.axis_index("s") * info.num_cores + lax.axis_index("c")
        base = wid * b_per_w
        pltpu.sync_copy(label_hbm.at[pl.ds(base, b_per_w)], idx_v)
        for h in range(b_per_w // 16):
            lv = idx_v[pl.ds(h * 16, 16)]
            pidx_v[pl.ds(h * 16, 16)] = (lax.div(lv, BLK) * (BLK // 2)
                                         + lax.rem(lv, BLK // 2))
        pltpu.async_copy(bank_hbm.at[pidx_v], rows_v, sem).wait()
        pltpu.sync_copy(rows_v, out_hbm.at[pl.ds(base, b_per_w)])

    return gather_kernel(label, bank2)


def _sweep_body(f_ref, bank_ref, s_ref, bank2_ref):
    i = pl.program_id(0)
    f = f_ref[...]
    blk = bank_ref[...]
    s_blk = lax.dot_general(f, blk, (((1,), (1,)), ((), ())),
                            preferred_element_type=jnp.float32) / T
    part = jnp.sum(jnp.exp(s_blk), axis=1, keepdims=True)
    bank2_ref[...] = jnp.concatenate(
        [blk[:BLK // 2, :], blk[BLK // 2:, :]], axis=1)

    @pl.when(i == 0)
    def _init():
        s_ref[...] = part

    @pl.when(i > 0)
    def _accum():
        s_ref[...] = s_ref[...] + part


def _combine_body(f_ref, old2_ref, lrow_ref, lcol_ref, s_ref, out_ref):
    f = f_ref[...]
    old2 = old2_ref[...]
    lcol = lcol_ref[...]
    odd = lax.div(lax.rem(lcol, BLK), BLK // 2).astype(jnp.float32)
    old = (old2[:, :CHANNEL] * (1.0 - odd)
           + old2[:, CHANNEL:] * odd)
    dn = (((1,), (1,)), ((), ()))
    p = lax.dot_general(f, old, dn, preferred_element_type=jnp.float32) / T
    q = lax.dot_general(f, f, dn, preferred_element_type=jnp.float32) / T
    lrow = lrow_ref[...]
    row_i = lax.broadcasted_iota(jnp.int32, (N, N), 0)
    col_i = lax.broadcasted_iota(jnp.int32, (N, N), 1)
    later_same = jnp.logical_and(lcol == lrow, row_i > col_i)
    winner = jnp.logical_not(jnp.any(later_same, axis=0, keepdims=True))
    wmask = jnp.broadcast_to(winner, (N, N))
    newv = ALPHA * p + q
    cmax = jnp.max(jnp.where(wmask, newv, -1e30), axis=1, keepdims=True)
    m_fin = jnp.maximum(cmax, 0.0)
    corr = jnp.sum(
        jnp.where(wmask, jnp.exp(newv - m_fin) - jnp.exp(p - m_fin), 0.0),
        axis=1, keepdims=True)
    total = s_ref[...] * jnp.exp(-m_fin) + corr
    lse = m_fin + jnp.log(total)
    pdiag = jnp.sum(jnp.where(row_i == col_i, p, 0.0), axis=1, keepdims=True)
    same_win = jnp.logical_and(lcol == lrow, wmask)
    qsel = jnp.sum(jnp.where(same_win, q, 0.0), axis=1, keepdims=True)
    pos = ALPHA * pdiag + qsel
    out_ref[...] = jnp.mean(lse - pos, axis=(0, 1), keepdims=True)


def kernel(f_normed, bank, label):
    lrow = label.reshape(1, N)
    lcol = label.reshape(N, 1)
    s_raw, bank2 = pl.pallas_call(
        _sweep_body,
        grid=(NBLK,),
        in_specs=[
            pl.BlockSpec((N, CHANNEL), lambda i: (0, 0)),
            pl.BlockSpec((BLK, CHANNEL), lambda i: (i, 0)),
        ],
        out_specs=[
            pl.BlockSpec((N, 1), lambda i: (0, 0)),
            pl.BlockSpec((BLK // 2, 2 * CHANNEL), lambda i: (i, 0)),
        ],
        out_shape=[
            jax.ShapeDtypeStruct((N, 1), jnp.float32),
            jax.ShapeDtypeStruct((ROWS2, 2 * CHANNEL), jnp.float32),
        ],
    )(f_normed, bank)
    old2 = _gather_pairs_sc(bank2, label)
    out = pl.pallas_call(
        _combine_body,
        in_specs=[
            pl.BlockSpec((N, CHANNEL), lambda: (0, 0)),
            pl.BlockSpec((N, 2 * CHANNEL), lambda: (0, 0)),
            pl.BlockSpec((1, N), lambda: (0, 0)),
            pl.BlockSpec((N, 1), lambda: (0, 0)),
            pl.BlockSpec((N, 1), lambda: (0, 0)),
        ],
        out_specs=pl.BlockSpec((1, 1), lambda: (0, 0)),
        out_shape=jax.ShapeDtypeStruct((1, 1), jnp.float32),
    )(f_normed, old2, lrow, lcol, s_raw)
    return out[0, 0]

# --- scband reference (transcript-rebuilt; emitter-appended) ---
"""Pipeline reference for scband-semantic-bank-18476949307683 (READ-ONLY COPY).

The authoritative reference and input builder live on the scoring server;
editing this copy changes nothing except your own understanding.
"""

import jax, jax.numpy as jnp
import numpy as np

N = 1024
CHANNEL = 64
CLASS_NUM = 100000
ALPHA = 0.85
T = 1.0


def setup_inputs(seed: int = 0) -> dict:
    key = jax.random.key(seed)
    k1, k2, k3 = jax.random.split(key, 3)
    f_normed = jax.random.normal(k1, (N, CHANNEL), dtype=jnp.float32)
    label = jax.random.randint(k2, (N,), 0, CLASS_NUM).astype(jnp.int32)
    # learned/state parameter: the semantic bank (nn.Parameter, requires_grad=False)
    bank = jax.random.normal(k3, (CLASS_NUM, CHANNEL), dtype=jnp.float32) * 0.02
    return {"f_normed": f_normed, "bank": bank, "label": label}


def reference(f_normed, bank, label):
    # update: SemanBank[label] = SemanBank[label] * alpha + f_normed.detach()
    # (gather of old values first, then scatter-overwrite, matching torch indexing semantics)
    new_bank = bank.at[label].set(bank[label] * ALPHA + f_normed)
    # warmup_step = 0, so step (1) > warmup_step -> compute the loss branch
    all_pairs = jnp.einsum('nc,mc->nm', f_normed, new_bank)  # [N, CLASS_NUM]
    # combined_pairs: for each row i, put the positive column label[i] first,
    # followed by all negative columns in their original order
    cols = jnp.arange(CLASS_NUM, dtype=jnp.int32)[None, :]  # [1, C]
    lbl = label[:, None].astype(jnp.int32)                   # [N, 1]
    gather_idx = jnp.where(cols == 0, lbl,
                           jnp.where(cols - 1 < lbl, cols - 1, cols))
    combined_pairs = jnp.take_along_axis(all_pairs, gather_idx, axis=1)  # [N, C]
    logits = combined_pairs / T
    # CrossEntropyLoss with target class 0 for every row, mean reduction
    loss = jnp.mean(jax.nn.logsumexp(logits, axis=1) - logits[:, 0])
    return loss

if __name__ == "__main__":
    import jax
    _d = setup_inputs()
    print(jax.jit(kernel)(*tuple(_d.values())))

</pallas_src>

<mosaic_0001>
#map = affine_map<(d0, d1) -> (0)>
#map1 = affine_map<(d0, d1) -> (0, 0)>
module attributes {stable_mosaic.version = 14 : i64} {
  func.func @gather_kernel(%arg0: i32, %arg1: i32, %arg2: memref<1024xi32, #tpu.memory_space<hbm>>, %arg3: memref<50000x128xf32, #tpu.memory_space<hbm>>, %arg4: memref<1024x128xf32, #tpu.memory_space<hbm>>, %arg5: memref<32xi32, #tpu.memory_space<vmem>>, %arg6: memref<32xi32, #tpu.memory_space<vmem>>, %arg7: memref<32x128xf32, #tpu.memory_space<vmem>>, %arg8: memref<!tpu.dma_semaphore, #tpu.memory_space<semaphore_mem>>) attributes {dimension_semantics = [#tpu.dimension_semantics<core_parallel>, #tpu.dimension_semantics<subcore_parallel>], iteration_bounds = array<i64: 2, 16>, scalar_prefetch = 0 : i64, scratch_operands = 4 : i64, tpu.core_type = #tpu.core_type<sc_vector_subcore>, window_params = [{transform_indices = #map}, {transform_indices = #map1}, {transform_indices = #map1}]} {
    %mul3A = arith.constant 2 : i32
    %mul3A_0 = arith.muli %arg1, %mul3A : i32
    %add3A = arith.addi %mul3A_0, %arg0 : i32
    %mul3A_1 = arith.constant 32 : i32
    %mul3A_2 = arith.muli %add3A, %mul3A_1 : i32
    "tpu.region"() ({
      %run_scoped3A = tpu.sem_alloc : memref<!tpu.dma_semaphore, #tpu.memory_space<semaphore_mem>>
      %dma_start3A_37 = tpu.memref_slice %arg2[%mul3A_2] : memref<1024xi32, #tpu.memory_space<hbm>> -> memref<32xi32, #tpu.memory_space<hbm>>
      %dma_start3A_38 = tpu.memref_slice %arg2[%mul3A_2] : memref<1024xi32, #tpu.memory_space<hbm>> -> memref<32xi32, #tpu.memory_space<hbm>>
      tpu.enqueue_dma source(%dma_start3A_38 : memref<32xi32, #tpu.memory_space<hbm>>) target(%arg5 : memref<32xi32, #tpu.memory_space<vmem>>) target_semaphore(%run_scoped3A : memref<!tpu.dma_semaphore, #tpu.memory_space<semaphore_mem>>)
      %dma_wait3A_39 = tpu.memref_slice %arg2[%mul3A_2] : memref<1024xi32, #tpu.memory_space<hbm>> -> memref<32xi32, #tpu.memory_space<hbm>>
      %dma_wait3A_40 = tpu.memref_slice %arg2[%mul3A_2] : memref<1024xi32, #tpu.memory_space<hbm>> -> memref<32xi32, #tpu.memory_space<hbm>>
      tpu.wait_dma2 semaphore(%run_scoped3A : memref<!tpu.dma_semaphore, #tpu.memory_space<semaphore_mem>>) src(%dma_wait3A_40 : memref<32xi32, #tpu.memory_space<hbm>>) dst(%arg5 : memref<32xi32, #tpu.memory_space<vmem>>)
      tpu.yield
    }) : () -> ()
    %get3A = arith.constant 0 : index
    %get3A_3 = tpu.vector_load %arg5[%get3A] {strides = array<i32>} : memref<32xi32, #tpu.memory_space<vmem>>, vector<16xi32>,
    %get3A_4 = vector.shape_cast %get3A_3 : vector<16xi32> to vector<16xi32>
    %div3A = arith.constant 4000 : i32
    %div3A_5 = vector.broadcast %div3A : i32 to vector<16xi32>
    %div3A_6 = arith.divsi %get3A_4, %div3A_5 : vector<16xi32>
    %mul3A_7 = arith.constant 2000 : i32
    %mul3A_8 = vector.broadcast %mul3A_7 : i32 to vector<16xi32>
    %mul3A_9 = arith.muli %div3A_6, %mul3A_8 : vector<16xi32>
    %rem3A = arith.constant 2000 : i32
    %rem3A_10 = vector.broadcast %rem3A : i32 to vector<16xi32>
    %rem3A_11 = arith.remsi %get3A_4, %rem3A_10 : vector<16xi32>
    %add3A_12 = arith.addi %mul3A_9, %rem3A_11 : vector<16xi32>
    %swap3A = arith.constant 0 : index
    %swap3A_13 = tpu.vector_load %arg6[%swap3A] {strides = array<i32>} : memref<32xi32, #tpu.memory_space<vmem>>, vector<16xi32>,
    %swap3A_14 = vector.shape_cast %swap3A_13 : vector<16xi32> to vector<16xi32>
    %swap3A_15 = vector.shape_cast %add3A_12 : vector<16xi32> to vector<16xi32>
    tpu.vector_store %arg6[%swap3A], %swap3A_15 {strides = array<i32>} : memref<32xi32, #tpu.memory_space<vmem>>, vector<16xi32>,
    %get3A_16 = arith.constant 16 : index
    %get3A_17 = tpu.vector_load %arg5[%get3A_16] {strides = array<i32>} : memref<32xi32, #tpu.memory_space<vmem>>, vector<16xi32>,
    %get3A_18 = vector.shape_cast %get3A_17 : vector<16xi32> to vector<16xi32>
    %div3A_19 = arith.constant 4000 : i32
    %div3A_20 = vector.broadcast %div3A_19 : i32 to vector<16xi32>
    %div3A_21 = arith.divsi %get3A_18, %div3A_20 : vector<16xi32>
    %mul3A_22 = arith.constant 2000 : i32
    %mul3A_23 = vector.broadcast %mul3A_22 : i32 to vector<16xi32>
    %mul3A_24 = arith.muli %div3A_21, %mul3A_23 : vector<16xi32>
    %rem3A_25 = arith.constant 2000 : i32
    %rem3A_26 = vector.broadcast %rem3A_25 : i32 to vector<16xi32>
    %rem3A_27 = arith.remsi %get3A_18, %rem3A_26 : vector<16xi32>
    %add3A_28 = arith.addi %mul3A_24, %rem3A_27 : vector<16xi32>
    %swap3A_29 = arith.constant 16 : index
    %swap3A_30 = tpu.vector_load %arg6[%swap3A_29] {strides = array<i32>} : memref<32xi32, #tpu.memory_space<vmem>>, vector<16xi32>,
    %swap3A_31 = vector.shape_cast %swap3A_30 : vector<16xi32> to vector<16xi32>
    %swap3A_32 = vector.shape_cast %add3A_28 : vector<16xi32> to vector<16xi32>
    tpu.vector_store %arg6[%swap3A_29], %swap3A_32 {strides = array<i32>} : memref<32xi32, #tpu.memory_space<vmem>>, vector<16xi32>,
    %dma_start3A = arith.constant 0 : i32
    %dma_start3A_33 = arith.constant 0 : i32
    %dma_start3A_34 = tpu.memref_slice %arg3[%dma_start3A, %dma_start3A_33] : memref<50000x128xf32, #tpu.memory_space<hbm>> -> memref<50000x128xf32, #tpu.memory_space<hbm>>
    tpu.enqueue_indirect_dma source(%dma_start3A_34 : memref<50000x128xf32, #tpu.memory_space<hbm>>) target(%arg7 : memref<32x128xf32, #tpu.memory_space<vmem>>) offsets(%arg6 : memref<32xi32, #tpu.memory_space<vmem>>) semaphore(%arg8 : memref<!tpu.dma_semaphore, #tpu.memory_space<semaphore_mem>>)
    %dma_wait3A = arith.constant 0 : i32
    %dma_wait3A_35 = arith.constant 0 : i32
    %dma_wait3A_36 = tpu.memref_slice %arg3[%dma_wait3A, %dma_wait3A_35] : memref<50000x128xf32, #tpu.memory_space<hbm>> -> memref<50000x128xf32, #tpu.memory_space<hbm>>
    tpu.wait_indirect_dma semaphore(%arg8 : memref<!tpu.dma_semaphore, #tpu.memory_space<semaphore_mem>>) src(%dma_wait3A_36 : memref<50000x128xf32, #tpu.memory_space<hbm>>) dst(%arg7 : memref<32x128xf32, #tpu.memory_space<vmem>>)
    "tpu.region"() ({
      %run_scoped3A = tpu.sem_alloc : memref<!tpu.dma_semaphore, #tpu.memory_space<semaphore_mem>>
      %dma_start3A_37 = arith.constant 0 : i32
      %dma_start3A_38 = tpu.memref_slice %arg4[%mul3A_2, %dma_start3A_37] : memref<1024x128xf32, #tpu.memory_space<hbm>> -> memref<32x128xf32, #tpu.memory_space<hbm>>
      %dma_start3A_39 = arith.constant 0 : i32
      %dma_start3A_40 = tpu.memref_slice %arg4[%mul3A_2, %dma_start3A_39] : memref<1024x128xf32, #tpu.memory_space<hbm>> -> memref<32x128xf32, #tpu.memory_space<hbm>>
      tpu.enqueue_dma source(%arg7 : memref<32x128xf32, #tpu.memory_space<vmem>>) target(%dma_start3A_40 : memref<32x128xf32, #tpu.memory_space<hbm>>) target_semaphore(%run_scoped3A : memref<!tpu.dma_semaphore, #tpu.memory_space<semaphore_mem>>)
      %dma_wait3A_41 = arith.constant 0 : i32
      %dma_wait3A_42 = tpu.memref_slice %arg4[%mul3A_2, %dma_wait3A_41] : memref<1024x128xf32, #tpu.memory_space<hbm>> -> memref<32x128xf32, #tpu.memory_space<hbm>>
      %dma_wait3A_43 = arith.constant 0 : i32
      %dma_wait3A_44 = tpu.memref_slice %arg4[%mul3A_2, %dma_wait3A_43] : memref<1024x128xf32, #tpu.memory_space<hbm>> -> memref<32x128xf32, #tpu.memory_space<hbm>>
      tpu.wait_dma2 semaphore(%run_scoped3A : memref<!tpu.dma_semaphore, #tpu.memory_space<semaphore_mem>>) src(%arg7 : memref<32x128xf32, #tpu.memory_space<vmem>>) dst(%dma_wait3A_44 : memref<32x128xf32, #tpu.memory_space<hbm>>)
      tpu.yield
    }) : () -> ()
    return
  }
}

module attributes {stable_mosaic.version = 14 : i64} {
  func.func @_sweep_body(%arg0: i32, %arg1: memref<1024x64xf32, #tpu.memory_space<vmem>>, %arg2: memref<4000x64xf32, #tpu.memory_space<vmem>>, %arg3: memref<1024x1xf32, #tpu.memory_space<vmem>>, %arg4: memref<2000x128xf32, #tpu.memory_space<vmem>>) attributes {dimension_semantics = [#tpu.dimension_semantics<arbitrary>], iteration_bounds = array<i64: 25>, scalar_prefetch = 0 : i64, scratch_operands = 0 : i64, tpu.core_type = #tpu.core_type<tc>, window_params = [{pipeline_mode = #tpu.pipeline_mode<synchronous>, transform_indices = @transform_0, window_bounds = array<i64: 1024, 64>}, {transform_indices = @transform_1, window_bounds = array<i64: 4000, 64>}, {pipeline_mode = #tpu.pipeline_mode<synchronous>, transform_indices = @transform_2, window_bounds = array<i64: 1024, 1>}, {transform_indices = @transform_3, window_bounds = array<i64: 2000, 128>}]} {
    %get3A = arith.constant 0 : index
    %get3A_0 = arith.constant 0 : index
    %get3A_1 = vector.load %arg1[%get3A, %get3A_0] : memref<1024x64xf32, #tpu.memory_space<vmem>>, vector<1024x64xf32>
    %get3A_2 = arith.constant 0 : index
    %get3A_3 = arith.constant 0 : index
    %get3A_4 = vector.load %arg2[%get3A_2, %get3A_3] : memref<4000x64xf32, #tpu.memory_space<vmem>>, vector<4000x64xf32>
    %dot_general3A = arith.constant dense<0.000000e+00> : vector<1024x4000xf32>
    %dot_general3A_5 = tpu.matmul %get3A_1, %get3A_4, %dot_general3A {dimension_numbers = #tpu.dot_dimension_numbers<[1], [1], [0], [0], [0, 0, 1, 0], [], []>, transpose_lhs_hint = false} : vector<1024x64xf32>, vector<4000x64xf32>, vector<1024x4000xf32> -> vector<1024x4000xf32>
    %div3A = arith.constant 1.000000e+00 : f32
    %div3A_6 = vector.broadcast %div3A : f32 to vector<1024x4000xf32>
    %div3A_7 = arith.divf %dot_general3A_5, %div3A_6 : vector<1024x4000xf32>
    %exp3A = math.exp %div3A_7 : vector<1024x4000xf32>
    %reduce_sum3A = arith.constant dense<0.000000e+00> : vector<1024xf32>
    %reduce_sum3A_8 = vector.multi_reduction <add>, %exp3A, %reduce_sum3A [1] : vector<1024x4000xf32> to vector<1024xf32>
    %broadcast_in_dim3A = vector.shape_cast %reduce_sum3A_8 : vector<1024xf32> to vector<1024x1xf32>
    %slice3A = vector.extract_strided_slice %get3A_4 {offsets = [0, 0], sizes = [2000, 64], strides = [1, 1]} : vector<4000x64xf32> to vector<2000x64xf32>
    %slice3A_9 = vector.extract_strided_slice %get3A_4 {offsets = [2000, 0], sizes = [2000, 64], strides = [1, 1]} : vector<4000x64xf32> to vector<2000x64xf32>
    %concatenate3A = tpu.concatenate %slice3A, %slice3A_9 in 1 : vector<2000x64xf32>, vector<2000x64xf32> -> vector<2000x128xf32>
    %swap3A = arith.constant 0 : index
    %swap3A_10 = arith.constant 0 : index
    %swap3A_11 = vector.load %arg4[%swap3A, %swap3A_10] : memref<2000x128xf32, #tpu.memory_space<vmem>>, vector<2000x128xf32>
    tpu.vector_store %arg4[%swap3A, %swap3A_10], %concatenate3A {strides = array<i32>} : memref<2000x128xf32, #tpu.memory_space<vmem>>, vector<2000x128xf32>,
    %eq3A = arith.constant 0 : i32
    %eq3A_12 = arith.cmpi eq, %arg0, %eq3A : i32
    %convert_element_type3A = arith.extui %eq3A_12 : i1 to i32
    %cond3A = arith.constant 0 : i32
    %cond3A_13 = arith.cmpi ne, %convert_element_type3A, %cond3A : i32
    scf.if %cond3A_13 {
      %swap3A_18 = arith.constant 0 : index
      %swap3A_19 = arith.constant 0 : index
      %swap3A_20 = vector.load %arg3[%swap3A_18, %swap3A_19] : memref<1024x1xf32, #tpu.memory_space<vmem>>, vector<1024x1xf32>
      tpu.vector_store %arg3[%swap3A_18, %swap3A_19], %broadcast_in_dim3A {strides = array<i32>} : memref<1024x1xf32, #tpu.memory_space<vmem>>, vector<1024x1xf32>,
    } else {
    }
    %gt3A = arith.constant 0 : i32
    %gt3A_14 = arith.cmpi sgt, %arg0, %gt3A : i32
    %convert_element_type3A_15 = arith.extui %gt3A_14 : i1 to i32
    %cond3A_16 = arith.constant 0 : i32
    %cond3A_17 = arith.cmpi ne, %convert_element_type3A_15, %cond3A_16 : i32
    scf.if %cond3A_17 {
      %get3A_18 = arith.constant 0 : index
      %get3A_19 = arith.constant 0 : index
      %get3A_20 = vector.load %arg3[%get3A_18, %get3A_19] : memref<1024x1xf32, #tpu.memory_space<vmem>>, vector<1024x1xf32>
      %add3A = arith.addf %get3A_20, %broadcast_in_dim3A : vector<1024x1xf32>
      %swap3A_21 = arith.constant 0 : index
      %swap3A_22 = arith.constant 0 : index
      %swap3A_23 = vector.load %arg3[%swap3A_21, %swap3A_22] : memref<1024x1xf32, #tpu.memory_space<vmem>>, vector<1024x1xf32>
      tpu.vector_store %arg3[%swap3A_21, %swap3A_22], %add3A {strides = array<i32>} : memref<1024x1xf32, #tpu.memory_space<vmem>>, vector<1024x1xf32>,
    } else {
    }
    return
  }
  func.func @transform_0(%arg0: i32) -> (i32, i32) {
    %c0_i32 = arith.constant 0 : i32
    %c0_i32_0 = arith.constant 0 : i32
    %c0_i32_1 = arith.constant 0 : i32
    return %c0_i32, %c0_i32_0 : i32, i32
  }
  func.func @transform_1(%arg0: i32) -> (i32, i32) {
    %c0_i32 = arith.constant 0 : i32
    %c0_i32_0 = arith.constant 0 : i32
    return %arg0, %c0_i32 : i32, i32
  }
  func.func @transform_2(%arg0: i32) -> (i32, i32) {
    %c0_i32 = arith.constant 0 : i32
    %c0_i32_0 = arith.constant 0 : i32
    %c0_i32_1 = arith.constant 0 : i32
    return %c0_i32, %c0_i32_0 : i32, i32
  }
  func.func @transform_3(%arg0: i32) -> (i32, i32) {
    %c0_i32 = arith.constant 0 : i32
    %c0_i32_0 = arith.constant 0 : i32
    return %arg0, %c0_i32 : i32, i32
  }
}

module attributes {stable_mosaic.version = 14 : i64} {
  func.func @_combine_body(%arg0: memref<1024x64xf32, #tpu.memory_space<vmem>>, %arg1: memref<1024x128xf32, #tpu.memory_space<vmem>>, %arg2: memref<1x1024xi32, #tpu.memory_space<vmem>>, %arg3: memref<1024x1xi32, #tpu.memory_space<vmem>>, %arg4: memref<1024x1xf32, #tpu.memory_space<vmem>>, %arg5: memref<1x1xf32, #tpu.memory_space<vmem>>) attributes {dimension_semantics = [], scalar_prefetch = 0 : i64, scratch_operands = 0 : i64, tpu.core_type = #tpu.core_type<tc>} {
    %get3A = arith.constant 0 : index
    %get3A_0 = arith.constant 0 : index
    %get3A_1 = vector.load %arg0[%get3A, %get3A_0] : memref<1024x64xf32, #tpu.memory_space<vmem>>, vector<1024x64xf32>
    %get3A_2 = arith.constant 0 : index
    %get3A_3 = arith.constant 0 : index
    %get3A_4 = vector.load %arg1[%get3A_2, %get3A_3] : memref<1024x128xf32, #tpu.memory_space<vmem>>, vector<1024x128xf32>
    %get3A_5 = arith.constant 0 : index
    %get3A_6 = arith.constant 0 : index
    %get3A_7 = vector.load %arg3[%get3A_5, %get3A_6] : memref<1024x1xi32, #tpu.memory_space<vmem>>, vector<1024x1xi32>
    %rem3A = arith.constant 4000 : i32
    %rem3A_8 = vector.broadcast %rem3A : i32 to vector<1024x1xi32>
    %rem3A_9 = arith.remsi %get3A_7, %rem3A_8 : vector<1024x1xi32>
    %div3A = arith.constant 2000 : i32
    %div3A_10 = vector.broadcast %div3A : i32 to vector<1024x1xi32>
    %div3A_11 = arith.divsi %rem3A_9, %div3A_10 : vector<1024x1xi32>
    %convert_element_type3A = arith.sitofp %div3A_11 : vector<1024x1xi32> to vector<1024x1xf32>
    %slice3A = vector.extract_strided_slice %get3A_4 {offsets = [0, 0], sizes = [1024, 64], strides = [1, 1]} : vector<1024x128xf32> to vector<1024x64xf32>
    %sub3A = arith.constant 1.000000e+00 : f32
    %sub3A_12 = vector.broadcast %sub3A : f32 to vector<1024x1xf32>
    %sub3A_13 = arith.subf %sub3A_12, %convert_element_type3A : vector<1024x1xf32>
    %mul3A = vector.broadcast %sub3A_13 : vector<1024x1xf32> to vector<1024x64xf32>
    %mul3A_14 = arith.mulf %slice3A, %mul3A : vector<1024x64xf32>
    %slice3A_15 = vector.extract_strided_slice %get3A_4 {offsets = [0, 64], sizes = [1024, 64], strides = [1, 1]} : vector<1024x128xf32> to vector<1024x64xf32>
    %mul3A_16 = vector.broadcast %convert_element_type3A : vector<1024x1xf32> to vector<1024x64xf32>
    %mul3A_17 = arith.mulf %slice3A_15, %mul3A_16 : vector<1024x64xf32>
    %add3A = arith.addf %mul3A_14, %mul3A_17 : vector<1024x64xf32>
    %dot_general3A = arith.constant dense<0.000000e+00> : vector<1024x1024xf32>
    %dot_general3A_18 = tpu.matmul %get3A_1, %add3A, %dot_general3A {dimension_numbers = #tpu.dot_dimension_numbers<[1], [1], [0], [0], [0, 0, 1, 0], [], []>, transpose_lhs_hint = false} : vector<1024x64xf32>, vector<1024x64xf32>, vector<1024x1024xf32> -> vector<1024x1024xf32>
    %div3A_19 = arith.constant 1.000000e+00 : f32
    %div3A_20 = vector.broadcast %div3A_19 : f32 to vector<1024x1024xf32>
    %div3A_21 = arith.divf %dot_general3A_18, %div3A_20 : vector<1024x1024xf32>
    %dot_general3A_22 = arith.constant dense<0.000000e+00> : vector<1024x1024xf32>
    %dot_general3A_23 = tpu.matmul %get3A_1, %get3A_1, %dot_general3A_22 {dimension_numbers = #tpu.dot_dimension_numbers<[1], [1], [0], [0], [0, 0, 1, 0], [], []>, transpose_lhs_hint = false} : vector<1024x64xf32>, vector<1024x64xf32>, vector<1024x1024xf32> -> vector<1024x1024xf32>
    %div3A_24 = arith.constant 1.000000e+00 : f32
    %div3A_25 = vector.broadcast %div3A_24 : f32 to vector<1024x1024xf32>
    %div3A_26 = arith.divf %dot_general3A_23, %div3A_25 : vector<1024x1024xf32>
    %get3A_27 = arith.constant 0 : index
    %get3A_28 = arith.constant 0 : index
    %get3A_29 = vector.load %arg2[%get3A_27, %get3A_28] : memref<1x1024xi32, #tpu.memory_space<vmem>>, vector<1x1024xi32>
    %iota3A = tpu.iota {dimensions = array<i32: 0>} : vector<1024x1024xi32>
    %iota3A_30 = tpu.iota {dimensions = array<i32: 1>} : vector<1024x1024xi32>
    %eq3A = vector.broadcast %get3A_7 : vector<1024x1xi32> to vector<1024x1024xi32>
    %eq3A_31 = vector.broadcast %get3A_29 : vector<1x1024xi32> to vector<1024x1024xi32>
    %eq3A_32 = arith.cmpi eq, %eq3A, %eq3A_31 : vector<1024x1024xi32>
    %gt3A = arith.cmpi sgt, %iota3A, %iota3A_30 : vector<1024x1024xi32>
    %and3A = arith.andi %eq3A_32, %gt3A : vector<1024x1024xi1>
    %reduce_or3A = arith.constant 1.000000e+00 : f32
    %reduce_or3A_33 = arith.constant 0.000000e+00 : f32
    %reduce_or3A_34 = vector.broadcast %reduce_or3A : f32 to vector<1024x1024xf32>
    %reduce_or3A_35 = vector.broadcast %reduce_or3A_33 : f32 to vector<1024x1024xf32>
    %reduce_or3A_36 = arith.select %and3A, %reduce_or3A_34, %reduce_or3A_35 : vector<1024x1024xi1>, vector<1024x1024xf32>
    %reduce_or3A_37 = arith.constant dense<0xFF800000> : vector<1024xf32>
    %reduce_or3A_38 = vector.multi_reduction <maximumf>, %reduce_or3A_36, %reduce_or3A_37 [0] : vector<1024x1024xf32> to vector<1024xf32>
    %reduce_or3A_39 = arith.constant 0.000000e+00 : f32
    %reduce_or3A_40 = vector.broadcast %reduce_or3A_39 : f32 to vector<1024xf32>
    %reduce_or3A_41 = arith.cmpf ogt, %reduce_or3A_38, %reduce_or3A_40 : vector<1024xf32>
    %broadcast_in_dim3A = vector.shape_cast %reduce_or3A_41 : vector<1024xi1> to vector<1x1024xi1>
    %not3A = arith.constant dense<true> : vector<1x1024xi1>
    %not3A_42 = arith.xori %broadcast_in_dim3A, %not3A : vector<1x1024xi1>
    %broadcast_in_dim3A_43 = vector.shape_cast %not3A_42 : vector<1x1024xi1> to vector<1x1024xi1>
    %broadcast_in_dim3A_44 = vector.broadcast %broadcast_in_dim3A_43 : vector<1x1024xi1> to vector<1024x1024xi1>
    %mul3A_45 = arith.constant 8.500000e-01 : f32
    %mul3A_46 = vector.broadcast %mul3A_45 : f32 to vector<1024x1024xf32>
    %mul3A_47 = arith.mulf %mul3A_46, %div3A_21 : vector<1024x1024xf32>
    %add3A_48 = arith.addf %mul3A_47, %div3A_26 : vector<1024x1024xf32>
    %jit3A = arith.constant -1.000000e+30 : f32
    %broadcast_in_dim3A_49 = vector.broadcast %jit3A : f32 to vector<1024x1024xf32>
    %select_n3A = arith.select %broadcast_in_dim3A_44, %add3A_48, %broadcast_in_dim3A_49 : vector<1024x1024xi1>, vector<1024x1024xf32>
    %reduce_max3A = arith.constant dense<0xFF800000> : vector<1024xf32>
    %reduce_max3A_50 = vector.multi_reduction <maximumf>, %select_n3A, %reduce_max3A [1] : vector<1024x1024xf32> to vector<1024xf32>
    %broadcast_in_dim3A_51 = vector.shape_cast %reduce_max3A_50 : vector<1024xf32> to vector<1024x1xf32>
    %max3A = arith.constant 0.000000e+00 : f32
    %max3A_52 = vector.broadcast %max3A : f32 to vector<1024x1xf32>
    %max3A_53 = arith.maximumf %broadcast_in_dim3A_51, %max3A_52 : vector<1024x1xf32>
    %sub3A_54 = vector.broadcast %max3A_53 : vector<1024x1xf32> to vector<1024x1024xf32>
    %sub3A_55 = arith.subf %add3A_48, %sub3A_54 : vector<1024x1024xf32>
    %exp3A = math.exp %sub3A_55 : vector<1024x1024xf32>
    %sub3A_56 = vector.broadcast %max3A_53 : vector<1024x1xf32> to vector<1024x1024xf32>
    %sub3A_57 = arith.subf %div3A_21, %sub3A_56 : vector<1024x1024xf32>
    %exp3A_58 = math.exp %sub3A_57 : vector<1024x1024xf32>
    %sub3A_59 = arith.subf %exp3A, %exp3A_58 : vector<1024x1024xf32>
    %jit3A_60 = arith.constant 0.000000e+00 : f32
    %broadcast_in_dim3A_61 = vector.broadcast %jit3A_60 : f32 to vector<1024x1024xf32>
    %select_n3A_62 = arith.select %broadcast_in_dim3A_44, %sub3A_59, %broadcast_in_dim3A_61 : vector<1024x1024xi1>, vector<1024x1024xf32>
    %reduce_sum3A = arith.constant dense<0.000000e+00> : vector<1024xf32>
    %reduce_sum3A_63 = vector.multi_reduction <add>, %select_n3A_62, %reduce_sum3A [1] : vector<1024x1024xf32> to vector<1024xf32>
    %broadcast_in_dim3A_64 = vector.shape_cast %reduce_sum3A_63 : vector<1024xf32> to vector<1024x1xf32>
    %get3A_65 = arith.constant 0 : index
    %get3A_66 = arith.constant 0 : index
    %get3A_67 = vector.load %arg4[%get3A_65, %get3A_66] : memref<1024x1xf32, #tpu.memory_space<vmem>>, vector<1024x1xf32>
    %neg3A = arith.constant 0.000000e+00 : f32
    %neg3A_68 = vector.broadcast %neg3A : f32 to vector<1024x1xf32>
    %neg3A_69 = arith.subf %neg3A_68, %max3A_53 : vector<1024x1xf32>
    %exp3A_70 = math.exp %neg3A_69 : vector<1024x1xf32>
    %mul3A_71 = arith.mulf %get3A_67, %exp3A_70 : vector<1024x1xf32>
    %add3A_72 = arith.addf %mul3A_71, %broadcast_in_dim3A_64 : vector<1024x1xf32>
    %log3A = math.log %add3A_72 : vector<1024x1xf32>
    %add3A_73 = arith.addf %max3A_53, %log3A : vector<1024x1xf32>
    %eq3A_74 = arith.cmpi eq, %iota3A, %iota3A_30 : vector<1024x1024xi32>
    %jit3A_75 = arith.constant 0.000000e+00 : f32
    %broadcast_in_dim3A_76 = vector.broadcast %jit3A_75 : f32 to vector<1024x1024xf32>
    %select_n3A_77 = arith.select %eq3A_74, %div3A_21, %broadcast_in_dim3A_76 : vector<1024x1024xi1>, vector<1024x1024xf32>
    %reduce_sum3A_78 = arith.constant dense<0.000000e+00> : vector<1024xf32>
    %reduce_sum3A_79 = vector.multi_reduction <add>, %select_n3A_77, %reduce_sum3A_78 [1] : vector<1024x1024xf32> to vector<1024xf32>
    %broadcast_in_dim3A_80 = vector.shape_cast %reduce_sum3A_79 : vector<1024xf32> to vector<1024x1xf32>
    %eq3A_81 = vector.broadcast %get3A_7 : vector<1024x1xi32> to vector<1024x1024xi32>
    %eq3A_82 = vector.broadcast %get3A_29 : vector<1x1024xi32> to vector<1024x1024xi32>
    %eq3A_83 = arith.cmpi eq, %eq3A_81, %eq3A_82 : vector<1024x1024xi32>
    %and3A_84 = arith.andi %eq3A_83, %broadcast_in_dim3A_44 : vector<1024x1024xi1>
    %jit3A_85 = arith.constant 0.000000e+00 : f32
    %broadcast_in_dim3A_86 = vector.broadcast %jit3A_85 : f32 to vector<1024x1024xf32>
    %select_n3A_87 = arith.select %and3A_84, %div3A_26, %broadcast_in_dim3A_86 : vector<1024x1024xi1>, vector<1024x1024xf32>
    %reduce_sum3A_88 = arith.constant dense<0.000000e+00> : vector<1024xf32>
    %reduce_sum3A_89 = vector.multi_reduction <add>, %select_n3A_87, %reduce_sum3A_88 [1] : vector<1024x1024xf32> to vector<1024xf32>
    %broadcast_in_dim3A_90 = vector.shape_cast %reduce_sum3A_89 : vector<1024xf32> to vector<1024x1xf32>
    %mul3A_91 = arith.constant 8.500000e-01 : f32
    %mul3A_92 = vector.broadcast %mul3A_91 : f32 to vector<1024x1xf32>
    %mul3A_93 = arith.mulf %mul3A_92, %broadcast_in_dim3A_80 : vector<1024x1xf32>
    %add3A_94 = arith.addf %mul3A_93, %broadcast_in_dim3A_90 : vector<1024x1xf32>
    %sub3A_95 = arith.subf %add3A_73, %add3A_94 : vector<1024x1xf32>
    %reduce_sum3A_96 = vector.shape_cast %sub3A_95 : vector<1024x1xf32> to vector<1x1024x1xf32>
    %reduce_sum3A_97 = arith.constant dense<0.000000e+00> : vector<1xf32>
    %reduce_sum3A_98 = vector.multi_reduction <add>, %reduce_sum3A_96, %reduce_sum3A_97 [1, 2] : vector<1x1024x1xf32> to vector<1xf32>
    %reduce_sum3A_99 = vector.shape_cast %reduce_sum3A_98 : vector<1xf32> to vector<1x1x1xf32>
    %reduce_sum3A_100 = vector.extract %reduce_sum3A_99[0, 0, 0] : f32 from vector<1x1x1xf32>
    %broadcast_in_dim3A_101 = vector.broadcast %reduce_sum3A_100 : f32 to vector<1x1xf32>
    %div3A_102 = arith.constant 1.024000e+03 : f32
    %div3A_103 = vector.broadcast %div3A_102 : f32 to vector<1x1xf32>
    %div3A_104 = arith.divf %broadcast_in_dim3A_101, %div3A_103 : vector<1x1xf32>
    %swap3A = arith.constant 0 : index
    %swap3A_105 = arith.constant 0 : index
    %swap3A_106 = vector.load %arg5[%swap3A, %swap3A_105] : memref<1x1xf32, #tpu.memory_space<vmem>>, vector<1x1xf32>
    tpu.vector_store %arg5[%swap3A, %swap3A_105], %div3A_104 {strides = array<i32>} : memref<1x1xf32, #tpu.memory_space<vmem>>, vector<1x1xf32>,
    return
  }
}

</mosaic_0001>

<sc_bundles>
// kernel: kernel.5.cloned.1.call-start
scs
__scs_entry_jumppad:
0x0: {  	(pc) =	sbr.rel $0x88, $3  }
0x1: {  	(tag) =	ssettag $0x0;
	lr =	simm.s32 $0x1  }
0x2: {  	[smem:$0x3F9E] =	sst lr;
	_ =	strace $0xD0000000  }
0x3: {  	_ = 	snop  }
0x4: {  	_ = 	snop  }
0x5: {  	_ = 	snop  }
0x6: {  	_ = 	snop  }
0x7: {  	_ = 	snop  }
__scs_overlays_trampoline_lowered:
0x8: {  	[smem:$0x3FAD] =	sst s0  }
0x9: {  	[smem:$0x3FAE] =	sst s1  }
0xa: {  	[smem:$0x3FAF] =	sst s2  }
0xb: {  	[smem:$0x3FB0] =	sst s3  }
0xc: {  	[smem:$0x3FB1] =	sst s4  }
0xd: {  	[smem:$0x3FB2] =	sst s5  }
0xe: {  	[smem:$0x3FB3] =	sst s6  }
0xf: {  	[smem:$0x3FB4] =	sst s7  }
0x10: {  	[smem:$0x3FB5] =	sst s8  }
0x11: {  	[smem:$0x3FB6] =	sst s9;
	s0 =	simm.s32 @!p0 $0x0  }
0x12: {  	s1 =	sld [smem:$0x3F9C];
	s0 =	simm.s32 @p0 $0x1  }
0x13: {  	[smem:$0x3FB7] =	sst s0;
	s0 =	simm.s32 @!p1 $0x0  }
0x14: {  	s2 =	sld [smem:$0x3F9B];
	s0 =	simm.s32 @p1 $0x1  }
0x15: {  	[smem:$0x3FB8] =	sst s0;
	s0 =	simm.s32 @!p2 $0x0  }
0x16: {  	s3 =	sld [smem:$0x3FDB];
	s0 =	simm.s32 @p2 $0x1  }
0x17: {  	s4 =	simm.s32 $0x1BF5;
	[smem:$0x3FBA] =	sst s0  }
0x18: {  	s0 =	sld [smem:$0x3F9D];
	_ =	swait.ge [sflag:s4], $0x0  }
0x19: {  	s7 =	sld [smem:$0x3F9E]  }
0x1a: {  	s8 =	sadd.s32 $0xFFFFE003, lr  }
0x1b: {  	s9 =	sadd.s32 $0xFFFFFEF7, lr;
	s5 =	simm.s32 $0xFFFFFFFF;
	p2 =	slt.u32 s8, $0xFFFFF086  }
0x1c: {  	p1 =	slt.u32 s9, $0xF7A;
	s5 =	simm.s32 @!p2 $0x0  }
0x1d: {  	s5 =	simm.s32 @p1 $0x1;
	p0 =	seq.s32 s7, s2  }
0x1e: {  	s7 =	smul.u32 @!p0 $0xF7A, s2;
	p2 =	seq.s32 @!p0 s5, $0x0  }
0x1f: {  	s9 =	smul.u32 $0xF7A, s1;
	s8 =	simm.s32 @!p0 $0x1BF5;
	p2 =	por !p2, p0  }
0x20: {  	[sflag:s8] =	ssyncset.s32 @!p0 $0xFFFFF086;
	s6 =	sadd.s32 @!p0 s3, s7;
	s7 =	simm.s32 @!p0 $0x108  }
0x21: {  	s3 =	sadd.s32 s3, s9;
	s6 =	sadd.s32 @!p0 $0x88, s6;
	s7 =	simm.s32 @p2 $0x1082  }
0x22: {  	[simem:s7], [sflag:s8] =	dma.local @!p0 [hbm:s6], $0xF7A  }
0x23: {  	s9 =	sor.u32 $0xD0000000, s2;
	s6 =	simm.s32 $0x108;
	_ =	swait.ge @!p0 [sflag:s8], $0x0  }
0x24: {  	s3 =	sadd.s32 $0x88, s3;
	s6 =	simm.s32 @!p1 $0x1082;
	[sflag:s4] =	ssyncset.s32 $0xFFFFF086  }
0x25: {  	[simem:s6], [sflag:s4] =	dma.local [hbm:s3], $0xF7A  }
0x26: {  	[smem:$0x3F9E] =	sst s1;
	(tag) =	ssettag s2;
	_ =	strace s9  }
0x27: {  	s1 =	sld [smem:$0x3FAE]  }
0x28: {  	s2 =	sld [smem:$0x3FAF]  }
0x29: {  	s4 =	sld [smem:$0x3FB1]  }
0x2a: {  	p0 =	seq.s32 s5, $0x0;
	s5 =	sld [smem:$0x3FB2]  }
0x2b: {  	s6 =	sld [smem:$0x3FB3]  }
0x2c: {  	s7 =	sld [smem:$0x3FB4]  }
0x2d: {  	s3 =	simm.s32 $0x108;
	s8 =	sld [smem:$0x3FB5]  }
0x2e: {  	s3 =	simm.s32 @!p0 $0x1082;
	s9 =	sld [smem:$0x3FB6]  }
0x2f: {  	lr =	sadd.s32 s0, s3;
	s0 =	sld [smem:$0x3FAD]  }
0x30: {  	s3 =	sld [smem:$0x3FB0]  }
0x31: {  	[smem:$0x3FB9] =	sst s10  }
0x32: {  	s10 =	sld [smem:$0x3FB7];
	_ =	sdelay $0x3  }
0x33: {  	p0 =	seq.s32 s10, $0x1;
	s10 =	sld [smem:$0x3FB9];
	_ =	sdelay $0x3  }
0x34: {  	[smem:$0x3FB9] =	sst s10  }
0x35: {  	s10 =	sld [smem:$0x3FB8];
	_ =	sdelay $0x3  }
0x36: {  	p1 =	seq.s32 s10, $0x1;
	s10 =	sld [smem:$0x3FB9];
	_ =	sdelay $0x3  }
0x37: {  	[smem:$0x3FB9] =	sst s10  }
0x38: {  	s10 =	sld [smem:$0x3FBA]  }
0x39: {  	_ = 	snop;
	(pc) =	sbr.ind lr, $3  }
0x3a: {  	_ = 	snop  }
0x3b: {  	_ = 	snop  }
0x3c: {  	p2 =	seq.s32 s10, $0x1;
	s10 =	sld [smem:$0x3FB9]  }
0x3d: {  	_ =	shalt  }
0x3e: {  	_ =	shalt  }
0x3f: {  	_ =	shalt  }
0x40: {  	_ =	shalt  }
0x41: {  	_ =	shalt  }
0x42: {  	_ =	shalt  }
0x43: {  	_ =	shalt  }
0x44: {  	_ =	shalt  }
0x45: {  	_ =	shalt  }
0x46: {  	_ =	shalt  }
0x47: {  	_ =	shalt  }
0x48: {  	_ =	shalt  }
0x49: {  	_ =	shalt  }
0x4a: {  	_ =	shalt  }
0x4b: {  	_ =	shalt  }
0x4c: {  	_ =	shalt  }
0x4d: {  	_ =	shalt  }
0x4e: {  	_ =	shalt  }
0x4f: {  	_ =	shalt  }
0x50: {  	_ =	shalt  }
0x51: {  	_ =	shalt  }
0x52: {  	_ =	shalt  }
0x53: {  	_ =	shalt  }
0x54: {  	_ =	shalt  }
0x55: {  	_ =	shalt  }
0x56: {  	_ =	shalt  }
0x57: {  	_ =	shalt  }
0x58: {  	_ =	shalt  }
0x59: {  	_ =	shalt  }
0x5a: {  	_ =	shalt  }
0x5b: {  	_ =	shalt  }
0x5c: {  	_ =	shalt  }
0x5d: {  	_ =	shalt  }
0x5e: {  	_ =	shalt  }
0x5f: {  	_ =	shalt  }
0x60: {  	_ =	shalt  }
0x61: {  	_ =	shalt  }
0x62: {  	_ =	shalt  }
0x63: {  	_ =	shalt  }
0x64: {  	_ =	shalt  }
0x65: {  	_ =	shalt  }
0x66: {  	_ =	shalt  }
0x67: {  	_ =	shalt  }
0x68: {  	_ =	shalt  }
0x69: {  	_ =	shalt  }
0x6a: {  	_ =	shalt  }
0x6b: {  	_ =	shalt  }
0x6c: {  	_ =	shalt  }
0x6d: {  	_ =	shalt  }
0x6e: {  	_ =	shalt  }
0x6f: {  	_ =	shalt  }
0x70: {  	_ =	shalt  }
0x71: {  	_ =	shalt  }
0x72: {  	_ =	shalt  }
0x73: {  	_ =	shalt  }
0x74: {  	_ =	shalt  }
0x75: {  	_ =	shalt  }
0x76: {  	_ =	shalt  }
0x77: {  	_ =	shalt  }
0x78: {  	_ =	shalt  }
0x79: {  	_ =	shalt  }
0x7a: {  	_ =	shalt  }
0x7b: {  	_ =	shalt  }
0x7c: {  	_ =	shalt  }
0x7d: {  	_ =	shalt  }
0x7e: {  	_ =	shalt  }
0x7f: {  	_ =	shalt  }
0x80: {  	_ =	shalt  }
0x81: {  	_ =	shalt  }
0x82: {  	_ =	shalt  }
0x83: {  	_ =	shalt  }
0x84: {  	_ =	shalt  }
0x85: {  	_ =	shalt  }
0x86: {  	_ =	shalt  }
0x87: {  	_ =	shalt  }
.Lfunc_end0:
.L_simem_size_0:
called_computation_lowered:
.L_overlay_start_0:
0x88: {  	s2 =	sld [smem:$0x3FD9]  }
0x89: {  	s3 =	sld [smem:$0x3FFE];
	_ =	sdelay $0x1  }
0x8a: {  	s1 =	srdreg.scid  }
0x8b: {  	s0 =	sand.u32 $0x1, s1  }
0x8c: {  	s17 =	sshll.u32 s0, $0xA;
	s2 =	sadd.s32 s3, s2  }
0x8d: {  	s2 =	sadd.s32 s2, s17  }
0x8e: {  	[smem:$0x3FC5] =	sst s2  }
0x8f: {  	_ = 	snop  }
0x90: {  	s2 =	sld [smem:$0x3FC7];
	(tm) =	ssettm $0x1  }
0x91: {  	s18 =	sld [smem:$0x3FFB];
	_ =	sdelay $0x3  }
0x92: {  	_ =	strace s18  }
0x93: {  	s3 =	sld [smem:$0x3FFC];
	_ =	sdelay $0x3  }
0x94: {  	_ =	strace s3  }
0x95: {  	s3 =	sld [smem:$0x3FFD];
	_ =	sdelay $0x3  }
0x96: {  	_ =	strace s3  }
0x97: {  	_ =	strace $0x8FFFFFFF  }
0x98: {  	s19 =	sld [smem:$0x3FDB];
	_ =	sdelay $0x1  }
0x99: {  	s4 =	simm.s32 $_scs_section_size  }
0x9a: {  	s5 =	simm.s32 $_size__tile_overlayer_lowered;
	s6 =	simm.s32 $_tile_overlayer_lowered  }
0x9b: {  	s22 =	simm.s32 $0x1BFF;
	s21 =	sshll.u32 s6, $0x1;
	s3 =	sadd.s32 s4, s19  }
0x9c: {  	s7 =	simm.s32 $0x0;
	s20 =	sshll.u32 s5, $0x1;
	s5 =	sadd.s32 s21, s3  }
0x9d: {  	[timem:s7], [sflag:s22] =	dma.local [hbm:s5], s20  }
0x9e: {  	_ =	swait.ge [sflag:s22], s20  }
0x9f: {  	s4 =	ssub.s32 $0x0, s20;
	[sflag:s22] =	ssyncset.done $0x0  }
0xa0: {  	[sflag:s22] =	ssyncadd.s32 s4;
	_ =	sdelay $0x1  }
0xa1: {  	s23 =	simm.s32 $0x1B8B  }
0xa2: {  	_ =	swait.ge [sflag:s23], $0x1  }
0xa3: {  	[sflag:s23] =	ssyncset.done $0x0  }
0xa4: {  	s25 =	simm.s32 $0x1B8E;
	s24 =	sld [smem:$0x3FFE];
	[sflag:s23] =	ssyncadd.s32 $0xFFFFFFFF  }
0xa5: {  	s26 =	simm.s32 $execute0_lowered;
	[smem:$0x3FD2] =	sst s25  }
0xa6: {  	s5 =	sshll.u32 s26, $0x1;
	_ =	strace $0x80000046;
	[dreg:$0x1] =	wrdreg $0xFFFFFFFF  }
0xa7: {  	s28 =	simm.s32 $_size_execute0_lowered;
	s3 =	sadd.s32 s3, s5;
	[dreg:$0x0] =	wrdreg $0x0  }
0xa8: {  	s5 =	sshll.u32 s28, $0x1;
	[dreg:$0x2] =	wrdreg s3  }
0xa9: {  	[dreg:$0x3] =	wrdreg s5  }
0xaa: {  	[dreg:$0x4] =	wrdreg $0xC0  }
0xab: {  	_ =	task [dreg:s7], $0x5FFFF  }
0xac: {  	[dreg:$0x1] =	wrdreg $0xFFFFFFFF  }
0xad: {  	[dreg:$0x0] =	wrdreg $0x60  }
0xae: {  	[dreg:$0x2] =	wrdreg s2  }
0xaf: {  	[dreg:$0x3] =	wrdreg s24  }
0xb0: {  	[dreg:$0x4] =	wrdreg $0x9  }
0xb1: {  	_ =	task.clear_ibuf [dreg:s7], $0x5FFFF;
	_ =	strace $0x90000046  }
0xb2: {  	s29 =	simm.s32 $0x9;
	_ =	strace $0x80000048  }
0xb3: {  	_ =	swait.ge [sflag:s29], $0x1  }
0xb4: {  	[sflag:s29] =	ssyncadd.s32 $0xFFFFFFFF  }
0xb5: {  	_ =	strace $0x90000048  }
0xb6: {  	_ =	sfence  }
0xb7: {  	s30 =	sld [smem:$0x0];
	_ =	sdelay $0x2  }
0xb8: {  	s31 =	sshll.u32 s1, $0xD;
	s1 =	sshrl.u32 s1, $0x2  }
0xb9: {  	s3 =	sand.u32 $0x4000, s31;
	s1 =	sadd.s32 s1, s30  }
0xba: {  	s0 =	sor.u32 s3, s0;
	s1 =	sshll.u32 s1, $0x11  }
0xbb: {  	s0 =	sor.u32 s1, s0  }
0xbc: {  	s0 =	sadd.s32 $0x8F2B, s0  }
0xbd: {  	[sflag:s0] =	ssyncadd.remote.s32 $0x1  }
0xbe: {  	_ =	sfence.sel $0xFFFF  }
0xbf: {  	[dreg:$0x0] =	wrdreg $0xFFFFFFFF;
	(pc) =	sbr.abs _section_cstart, $3  }
0xc0: {  	[dreg:$0x1] =	wrdreg $0xFFFFFFFF  }
0xc1: {  	_ =	task.clear_ibuf [dreg:s7], $0x2FFFF;
	_ =	strace $0x9FFFFFFF  }
0xc2: {  	(tm) =	ssettm $0x7FFFFFFF  }
0xc3: {  	_ =	shalt  }
tec
execute0_lowered:
.L_overlay_start_1:
0x0: {  	(tag) =	ssettag $0x1  }
0x1: {  	s0 =	rddreg [dreg:$0x0]  }
0x2: {  	s1 =	rddreg [dreg:$0x1]  }
0x3: {  	s2 =	simm.s32 $0x0;
	s25 =	srdreg.scid;
	s4 =	stileid.u32  }
0x4: {  	s30 =	simm.s32 $0x20;
	s31 =	simm.s32 $0x80;
	[smem:$0x7FF] =	sst s2  }
0x5: {  	v0 =	vimm.s32 $0xECA86420;
	vm0 =	vcmask $0xB08;
	vm1 =	vcmask $0x1310;
	s2 =	sand.u32 $0x1, s25;
	s3 =	sadd.s32 $0x187400, s1;
	s4 =	sshll.u32 s4, $0x6  }
0x6: {  	vm2 =	vcmask $0x1B18;
	vm3 =	vcmask $0x300;
	vm4 =	vcmask $0x704;
	_ =	strace $0x80000047;
	s5 =	sshll.u32 s2, $0x5;
	[dreg:$0x4] =	wrdreg s3  }
0x7: {  	vm5 =	vcmask $0xF0C;
	vm6 =	vcmask $0x1714;
	vm7 =	vcmask $0x1F1C;
	s2 =	ssub.s32 $0x2, s2;
	[dreg:$0x6] =	wrdreg s30;
	s26 =	sor.u32 s5, s4  }
0x8: {  	vm8 =	vcmask $0x2320;
	vm9 =	vcmask $0x2724;
	vm10 =	vcmask $0x2B28;
	[dreg:$0x5] =	wrdreg s31;
	s4 =	sshll.u32 s26, $0x4;
	s3 =	sshrl.u32 s26, $0x3  }
0x9: {  	vm11 =	vcmask $0x2F2C;
	vm12 =	vcmask $0x3330;
	v0 =	vunpack.c.l.s4.s8 v0;
	s28 =	sshrl.u32 s2, $0x1;
	s1 =	sadd.s32 s4, s1;
	s0 =	sadd.s32 s0, s3  }
0xa: {  	vm13 =	vcmask $0x3734;
	v1 =	vlaneseq.u32;
	vm14 =	vcmask $0x3B38;
	s2 =	ssub.s32 s2, s28;
	[dreg:$0x3] =	wrdreg s0;
	s29 =	sadd.s32 $0xA00, s1  }
0xb: {  	vm15 =	vmmov $0xff;
	v1 =	vmul.u32 $0x2, v1;
	v0 =	vunpack.c.0.s8.s32 v0;
	s1 =	smax.u32 s2, $0x1;
	[dreg:$0x7] =	wrdreg s29  }
.LBB2_1:
0xc: {  	[dreg:$0x8] =	wrdreg s1  }
0xd: {  	s0 =	rddreg [dreg:$0x3];
	s15 =	simm.s32 $0x0;
	s16 =	simm.s32 $0x2  }
0xe: {  	[tilespmem:s15], [sflag:$0x2] =	stream.linear.gather [hbm4b:s0+s15], $0x20, $0x38;
	[tilespmem:$0x1100] =	vst v63  }
0xf: {  	_ =	swait.ge [sflag:s16], $0x20  }
0x10: {  	[sflag:s16] =	ssyncset.done $0x0  }
0x11: {  	[sflag:s16] =	ssyncadd.s32 $0xFFFFFFE0  }
0x12: {  	v2 =	vld [tilespmem:$0x0];
	_ =	sdelay $0x4  }
0x13: {  	(v2sf) =	vpush v2, $0xD;
	_ =	sdelay $0x1  }
0x14: {  	(v2sf) =	vpush v2, $0xC;
	_ =	sdelay $0x1  }
0x15: {  	(v2sf) =	vpush v2, $0xE;
	_ =	sdelay $0x1  }
0x16: {  	(v2sf) =	vpush v2, $0xF;
	_ =	sdelay $0x1  }
0x17: {  	(v2sf) =	vpush v2, $0x9;
	_ =	sdelay $0x1  }
0x18: {  	(v2sf) =	vpush v2, $0x8;
	_ =	sdelay $0x1  }
0x19: {  	(v2sf) =	vpush v2, $0xA;
	_ =	sdelay $0x1  }
0x1a: {  	(v2sf) =	vpush v2, $0xB  }
0x1b: {  	s17 =	spop (v2sf)  }
0x1c: {  	(v2sf) =	vpush v2, $0x0;
	s21 =	smulhi.u32 $0x10624DD3, s17;
	s1 =	sshra.s32 s17, $0x1F  }
0x1d: {  	s3 =	spop (v2sf);
	s10 =	smul.u32 $0x10624DD3, s1  }
0x1e: {  	(v2sf) =	vpush v2, $0x7;
	s1 =	smulhi.u32 $0x10624DD3, s3;
	s3 =	sshra.s32 s3, $0x1F  }
0x1f: {  	s4 =	spop (v2sf);
	s6 =	smul.u32 $0x10624DD3, s3  }
0x20: {  	(v2sf) =	vpush v2, $0x1;
	s8 =	smulhi.u32 $0x10624DD3, s4;
	s4 =	sshra.s32 s4, $0x1F  }
0x21: {  	s18 =	spop (v2sf);
	s0 =	smul.u32 $0x10624DD3, s4  }
0x22: {  	(v2sf) =	vpush v2, $0x2;
	s2 =	smulhi.u32 $0x10624DD3, s18;
	s4 =	sshra.s32 s18, $0x1F  }
0x23: {  	s19 =	spop (v2sf);
	s7 =	smul.u32 $0x10624DD3, s4  }
0x24: {  	(v2sf) =	vpush v2, $0x3;
	s28 =	smulhi.u32 $0x10624DD3, s19;
	s4 =	sshra.s32 s19, $0x1F  }
0x25: {  	s20 =	spop (v2sf);
	s23 =	smul.u32 $0x10624DD3, s4  }
0x26: {  	(v2sf) =	vpush v2, $0x4;
	s5 =	smulhi.u32 $0x10624DD3, s20;
	s4 =	sshra.s32 s20, $0x1F  }
0x27: {  	v3 =	vld [tilespmem:$0x10];
	s22 =	spop (v2sf);
	s12 =	smul.u32 $0x10624DD3, s4  }
0x28: {  	(v2sf) =	vpush v2, $0x5;
	s13 =	smulhi.u32 $0x10624DD3, s22;
	s4 =	sshra.s32 s22, $0x1F  }
0x29: {  	s24 =	spop (v2sf);
	s14 =	smul.u32 $0x10624DD3, s4  }
0x2a: {  	(v2sf) =	vpush v2, $0x6;
	s15 =	smulhi.u32 $0x10624DD3, s24;
	s4 =	sshra.s32 s24, $0x1F  }
0x2b: {  	s16 =	smul.u32 $0x10624DD3, s4;
	s25 =	spop (v2sf)  }
0x2c: {  	(v2sf) =	vpush v3, $0xD;
	s17 =	smulhi.u32 $0x10624DD3, s25;
	s4 =	sshra.s32 s25, $0x1F  }
0x2d: {  	s26 =	spop (v2sf);
	s18 =	smul.u32 $0x10624DD3, s4  }
0x2e: {  	(v2sf) =	vpush v3, $0xC;
	s19 =	smulhi.u32 $0x10624DD3, s26;
	s4 =	sshra.s32 s26, $0x1F  }
0x2f: {  	s29 =	spop (v2sf);
	s20 =	smul.u32 $0x10624DD3, s4  }
0x30: {  	(v2sf) =	vpush v3, $0xE;
	s24 =	smulhi.u32 $0x10624DD3, s29;
	s4 =	sshra.s32 s29, $0x1F  }
0x31: {  	s30 =	spop (v2sf);
	s25 =	smul.u32 $0x10624DD3, s4  }
0x32: {  	(v2sf) =	vpush v3, $0xF;
	s26 =	smulhi.u32 $0x10624DD3, s30;
	s4 =	sshra.s32 s30, $0x1F  }
0x33: {  	s31 =	spop (v2sf);
	s29 =	smul.u32 $0x10624DD3, s4  }
0x34: {  	s28 =	sadd.s32 s23, s28;
	(v2sf) =	vpush v3, $0x9;
	s30 =	smulhi.u32 $0x10624DD3, s31;
	s4 =	sshra.s32 s31, $0x1F  }
0x35: {  	s16 =	sadd.s32 s16, s15;
	s3 =	spop (v2sf);
	s31 =	smul.u32 $0x10624DD3, s4  }
0x36: {  	[dreg:$0x13] =	wrdreg s16;
	(v2sf) =	vpush v3, $0x8;
	s9 =	smulhi.u32 $0x10624DD3, s3;
	s22 =	sshra.s32 s3, $0x1F  }
0x37: {  	s4 =	sadd.s32 s10, s21;
	s11 =	spop (v2sf);
	s3 =	smul.u32 $0x10624DD3, s22  }
0x38: {  	s10 =	sadd.s32 s6, s1;
	(v2sf) =	vpush v3, $0xA;
	s6 =	smulhi.u32 $0x10624DD3, s11;
	s22 =	sshra.s32 s11, $0x1F  }
0x39: {  	s21 =	sadd.s32 s0, s8;
	s0 =	spop (v2sf);
	s8 =	smul.u32 $0x10624DD3, s22  }
0x3a: {  	(v2sf) =	vpush v3, $0xB;
	s22 =	sadd.s32 s7, s2;
	s2 =	smulhi.u32 $0x10624DD3, s0;
	s1 =	sshra.s32 s0, $0x1F  }
0x3b: {  	s23 =	sadd.s32 s12, s5;
	s0 =	smul.u32 $0x10624DD3, s1;
	s11 =	spop (v2sf)  }
0x3c: {  	s5 =	sadd.s32 s18, s17;
	(v2sf) =	vpush v3, $0x0;
	s12 =	smulhi.u32 $0x10624DD3, s11;
	s1 =	sshra.s32 s11, $0x1F  }
0x3d: {  	s11 =	sadd.s32 s14, s13;
	s7 =	spop (v2sf);
	s13 =	smul.u32 $0x10624DD3, s1  }
0x3e: {  	s20 =	sadd.s32 s20, s19;
	s14 =	smulhi.u32 $0x10624DD3, s7;
	s1 =	sshra.s32 s7, $0x1F  }
0x3f: {  	(v2sf) =	vpush v3, $0x7;
	s18 =	spop (v2sf);
	s7 =	sadd.s32 s25, s24;
	s15 =	smul.u32 $0x10624DD3, s1  }
0x40: {  	s25 =	sadd.s32 s29, s26;
	s16 =	smulhi.u32 $0x10624DD3, s18;
	s19 =	sshra.s32 s18, $0x1F  }
0x41: {  	(v2sf) =	vpush v3, $0x1;
	s29 =	sadd.s32 s3, s9;
	s24 =	spop (v2sf);
	s17 =	smul.u32 $0x10624DD3, s19  }
0x42: {  	s26 =	sadd.s32 s8, s6;
	s19 =	smulhi.u32 $0x10624DD3, s24;
	s18 =	sshra.s32 s24, $0x1F  }
0x43: {  	(v2sf) =	vpush v3, $0x2;
	s24 =	sadd.s32 s31, s30;
	s30 =	spop (v2sf);
	s18 =	smul.u32 $0x10624DD3, s18  }
0x44: {  	s9 =	sadd.s32 s13, s12;
	s3 =	smulhi.u32 $0x10624DD3, s30;
	s31 =	sshra.s32 s30, $0x1F  }
0x45: {  	(v2sf) =	vpush v3, $0x3;
	s1 =	spop (v2sf);
	s30 =	sadd.s32 s0, s2;
	s6 =	smul.u32 $0x10624DD3, s31  }
0x46: {  	[dreg:$0xd] =	wrdreg s9;
	s0 =	smulhi.u32 $0x10624DD3, s1;
	s8 =	sshra.s32 s1, $0x1F  }
0x47: {  	(v2sf) =	vpush v3, $0x4;
	s15 =	sadd.s32 s15, s14;
	s12 =	spop (v2sf);
	s2 =	smul.u32 $0x10624DD3, s8  }
0x48: {  	[dreg:$0xe] =	wrdreg s15;
	s14 =	sadd.s32 s17, s16;
	s9 =	smulhi.u32 $0x10624DD3, s12  }
0x49: {  	s8 =	sshra.s32 s12, $0x1F;
	s13 =	spop (v2sf);
	[dreg:$0xf] =	wrdreg s14  }
0x4a: {  	s15 =	sadd.s32 s18, s19;
	[dreg:$0x11] =	wrdreg s13;
	s8 =	smul.u32 $0x10624DD3, s8  }
0x4b: {  	s31 =	spop (v2sf);
	[dreg:$0xc] =	wrdreg s15  }
0x4c: {  	s17 =	sadd.s32 s6, s3;
	s13 =	smulhi.u32 $0x10624DD3, s31;
	s12 =	sshra.s32 s31, $0x1F  }
0x4d: {  	[dreg:$0xa] =	wrdreg s17;
	s0 =	sadd.s32 s2, s0;
	s12 =	smul.u32 $0x10624DD3, s12  }
0x4e: {  	s3 =	sshra.s32 s25, $0x1F;
	[dreg:$0x9] =	wrdreg s0;
	s16 =	spop (v2sf)  }
0x4f: {  	s15 =	sadd.s32 s8, s9;
	s18 =	smulhi.u32 $0x10624DD3, s16;
	s19 =	sshra.s32 s16, $0x1F  }
0x50: {  	s9 =	sshra.s32 s25, $0x8;
	s14 =	spop (v2sf);
	s31 =	smul.u32 $0x10624DD3, s19  }
0x51: {  	[dreg:$0xb] =	wrdreg s15;
	s6 =	smulhi.u32 $0x10624DD3, s14;
	s2 =	sshra.s32 s14, $0x1F  }
0x52: {  	s17 =	sadd.s32 s12, s13;
	s16 =	spop (v2sf);
	s2 =	smul.u32 $0x10624DD3, s2  }
0x53: {  	s19 =	sshra.s32 s16, $0x1F;
	s0 =	sadd.s32 s31, s18;
	s18 =	smulhi.u32 $0x10624DD3, s16  }
0x54: {  	s1 =	spop (v2sf);
	s8 =	smul.u32 $0x10624DD3, s19;
	s31 =	sshra.s32 s20, $0x1F  }
0x55: {  	s14 =	sshra.s32 s5, $0x8;
	s12 =	smulhi.u32 $0x10624DD3, s1;
	s13 =	sshra.s32 s1, $0x1F;
	v8 =	vmov s31  }
0x56: {  	s1 =	sshra.s32 s7, $0x8;
	s31 =	spop (v2sf);
	v4 =	vsel vm3, s14, v8;
	s14 =	sshra.s32 s5, $0x1F  }
0x57: {  	s16 =	sshra.s32 s24, $0x8;
	s15 =	smul.u32 $0x10624DD3, s13;
	s13 =	sshra.s32 s31, $0x1F;
	v4 =	vsel vm4, s14, v4  }
0x58: {  	s19 =	sadd.s32 s2, s6;
	s2 =	smul.u32 $0x10624DD3, s13;
	s13 =	sshra.s32 s7, $0x1F;
	v4 =	vsel vm0, s1, v4  }
0x59: {  	[dreg:$0x12] =	wrdreg s0;
	s6 =	sshra.s32 s4, $0x8;
	s0 =	smulhi.u32 $0x10624DD3, s31;
	v4 =	vsel vm5, s13, v4  }
0x5a: {  	s18 =	sadd.s32 s8, s18;
	s31 =	sadd.s32 s15, s12;
	s15 =	sshra.s32 s4, $0x7;
	v4 =	vsel vm1, s9, v4  }
0x5b: {  	s8 =	sshrl.u32 s10, $0x1F;
	[dreg:$0x14] =	wrdreg s15;
	s12 =	sadd.s32 s2, s0;
	v4 =	vsel vm6, s3, v4  }
0x5c: {  	v46 =	vmov s8;
	s8 =	sshra.s32 s30, $0x1F;
	[dreg:$0x10] =	wrdreg s12;
	s12 =	sshra.s32 s24, $0x1F;
	v4 =	vsel vm2, s16, v4  }
0x5d: {  	s1 =	sshra.s32 s23, $0x8;
	s0 =	sshra.s32 s10, $0x8;
	s2 =	sshra.s32 s29, $0x8;
	v4 =	vsel vm7, s12, v4  }
0x5e: {  	(v2sf) =	vpush v3, $0x5;
	v6 =	vmov s1;
	s1 =	sshra.s32 s11, $0x8;
	s9 =	sshrl.u32 s4, $0x1F;
	s4 =	sshra.s32 s29, $0x1F;
	v4 =	vsel vm8, s2, v4  }
0x5f: {  	(v2sf) =	vpush v3, $0x6;
	v5 =	vmov s0;
	s16 =	sshra.s32 s28, $0x8;
	s2 =	smov.u32 s11;
	s11 =	sshra.s32 s26, $0x8;
	v7 =	vsel vm9, s4, v4  }
0x60: {  	s15 =	sshra.s32 s10, $0x7;
	s10 =	sshra.s32 s21, $0x8;
	v5 =	vsel vm0, s6, v5;
	v6 =	vsel vm0, s16, v6;
	v45 =	vsel vm10, s11, v7;
	s11 =	rddreg [dreg:$0x13]  }
0x61: {  	v51 =	vmov s15;
	s0 =	sshra.s32 s22, $0x8;
	s6 =	sshra.s32 s26, $0x1F;
	v5 =	vsel vm1, s10, v5;
	v44 =	vsel vm1, s1, v6;
	s16 =	sshra.s32 s11, $0x8  }
0x62: {  	s15 =	sshra.s32 s17, $0x1F;
	v43 =	vsel vm2, s0, v5;
	s1 =	sshra.s32 s30, $0x8;
	v6 =	vsel vm11, s6, v45;
	v5 =	vsel vm2, s16, v44;
	s16 =	sshrl.u32 s5, $0x1F  }
0x63: {  	s10 =	sshrl.u32 s21, $0x1F;
	s0 =	sshrl.u32 s7, $0x1F;
	v7 =	vsel vm0, s9, v46;
	s9 =	sshra.s32 s20, $0x8;
	v6 =	vsel vm12, s1, v6;
	v9 =	vmov s16  }
0x64: {  	v7 =	vsel vm1, s10, v7;
	s10 =	sshra.s32 s5, $0x7;
	s1 =	sshrl.u32 s22, $0x1F;
	s16 =	sshra.s32 s22, $0x7;
	v6 =	vsel vm13, s8, v6;
	v9 =	vnsel vm3, $0x0, v9  }
0x65: {  	s22 =	sshrl.u32 s28, $0x1F;
	v6 =	vsel vm14, s9, v6;
	s9 =	sshra.s32 s28, $0x7;
	s28 =	sshrl.u32 s25, $0x1F;
	v9 =	vsel vm0, s0, v9  }
0x66: {  	s21 =	sshra.s32 s21, $0x7;
	v8 =	vsel vm3, s10, v8;
	s10 =	sshrl.u32 s23, $0x1F;
	v9 =	vsel vm1, s28, v9;
	s28 =	sshrl.u32 s24, $0x1F  }
0x67: {  	s5 =	sshra.s32 s7, $0x7;
	v7 =	vsel vm2, s1, v7;
	s1 =	sshra.s32 s23, $0x7;
	v8 =	vsel vm4, s14, v8;
	s14 =	sshrl.u32 s29, $0x1F;
	v9 =	vsel vm2, s28, v9  }
0x68: {  	v10 =	vmov s10;
	s10 =	sshrl.u32 s2, $0x1F;
	s23 =	sshrl.u32 s11, $0x1F;
	v8 =	vsel vm0, s5, v8;
	s28 =	sshrl.u32 s26, $0x1F;
	v9 =	vsel vm8, s14, v9  }
0x69: {  	v10 =	vsel vm0, s22, v10;
	s5 =	sshra.s32 s11, $0x7;
	s22 =	sshrl.u32 s20, $0x1F;
	v8 =	vsel vm5, s13, v8;
	s13 =	sshrl.u32 s30, $0x1F;
	v11 =	vsel vm10, s28, v9  }
0x6a: {  	v4 =	vcombine.low v5, v43;
	s11 =	sshra.s32 s30, $0x7;
	v14 =	vmov s1;
	s1 =	sshra.s32 s19, $0x1F;
	s0 =	sshra.s32 s2, $0x7;
	v48 =	vsel vm12, s13, v11  }
0x6b: {  	v10 =	vsel vm1, s10, v10;
	s2 =	sshra.s32 s25, $0x7;
	s10 =	sshra.s32 s29, $0x7;
	v14 =	vsel vm0, s9, v14;
	v50 =	vsel vm14, s22, v48;
	s22 =	rddreg [dreg:$0x12]  }
0x6c: {  	s25 =	rddreg [dreg:$0x14];
	v4 =	vperm.xlane v4, v0;
	v6 =	vperm.xlane v6, v1;
	v49 =	vsel vm1, s2, v8;
	s14 =	sshra.s32 s24, $0x7;
	s24 =	sshra.s32 s22, $0x1F  }
0x6d: {  	s29 =	sshra.s32 s17, $0x8;
	s30 =	spop (v2sf);
	s9 =	sshra.s32 s18, $0x1F;
	v47 =	vsel vm2, s23, v10;
	v11 =	vsel vm6, s3, v49;
	v12 =	vmov s24  }
0x6e: {  	s23 =	sshra.s32 s26, $0x7;
	v10 =	vsel vm0, s25, v51;
	s2 =	sshra.s32 s19, $0x8;
	s26 =	rddreg [dreg:$0x11];
	v11 =	vsel vm2, s14, v11;
	v13 =	vsel vm3, s29, v12  }
0x6f: {  	s25 =	rddreg [dreg:$0xe];
	v14 =	vsel vm1, s0, v14;
	s7 =	smulhi.u32 $0x10624DD3, s26;
	s28 =	sshra.s32 s26, $0x1F;
	v11 =	vsel vm7, s12, v11;
	v13 =	vsel vm4, s15, v13  }
0x70: {  	s0 =	sshra.s32 s31, $0x1F;
	v10 =	vsel vm1, s21, v10;
	s13 =	smul.u32 $0x10624DD3, s28;
	s28 =	rddreg [dreg:$0xd];
	v11 =	vsel vm8, s10, v11;
	v13 =	vsel vm0, s2, v13  }
0x71: {  	v10 =	vsel vm2, s16, v10;
	s26 =	spop (v2sf);
	s16 =	sshra.s32 s28, $0x8;
	s24 =	sshra.s32 s18, $0x8;
	v11 =	vsel vm9, s4, v11;
	v13 =	vsel vm5, s1, v13  }
0x72: {  	v14 =	vsel vm2, s5, v14;
	s12 =	sshra.s32 s30, $0x1F;
	s7 =	sadd.s32 s13, s7;
	s13 =	sshrl.u32 s25, $0x1F;
	v11 =	vsel vm10, s23, v11;
	v13 =	vsel vm1, s24, v13  }
0x73: {  	v7 =	vcombine.low v47, v7;
	s10 =	sshra.s32 s20, $0x7;
	s23 =	sshra.s32 s25, $0x8;
	v11 =	vsel vm11, s6, v11;
	s2 =	sshra.s32 s31, $0x8;
	v13 =	vsel vm6, s9, v13  }
0x74: {  	v53 =	vcombine.low v14, v10;
	v11 =	vsel vm12, s11, v11;
	s11 =	smulhi.u32 $0x10624DD3, s26;
	v13 =	vsel vm2, s2, v13;
	s2 =	sshra.s32 s26, $0x1F;
	s26 =	rddreg [dreg:$0x9]  }
0x75: {  	v7 =	vperm.xlane v7, v0;
	v8 =	vperm.xlane v50, v1;
	s20 =	smulhi.u32 $0x10624DD3, s30;
	v15 =	vmov s23;
	s23 =	rddreg [dreg:$0xa];
	s6 =	sshra.s32 s26, $0x8  }
0x76: {  	v4 =	vsel vm15, v6, v4;
	v9 =	vperm.xlane v53, v0;
	s30 =	rddreg [dreg:$0xf];
	s4 =	smul.u32 $0x10624DD3, s12;
	s21 =	sshra.s32 s23, $0x8;
	v16 =	vmov s6  }
0x77: {  	v18 =	vmov s13;
	s14 =	sshra.s32 s30, $0x8;
	v55 =	vsel vm15, v8, v7;
	s24 =	rddreg [dreg:$0xb];
	v16 =	vsel vm0, s21, v16;
	s21 =	sshrl.u32 s17, $0x1F  }
0x78: {  	s29 =	rddreg [dreg:$0xc];
	s3 =	sadd.s32 s4, s20;
	v15 =	vsel vm0, s16, v15;
	v11 =	vsel vm13, s8, v11;
	s8 =	sshra.s32 s24, $0x8;
	v17 =	vmov s21  }
0x79: {  	s20 =	sshrl.u32 s28, $0x1F;
	v15 =	vsel vm1, s14, v15;
	s14 =	sshrl.u32 s19, $0x1F;
	v16 =	vsel vm1, s8, v16;
	s8 =	sshra.s32 s7, $0x8;
	v17 =	vnsel vm3, $0x0, v17  }
0x7a: {  	s5 =	sshra.s32 s29, $0x8;
	s16 =	rddreg [dreg:$0x10];
	v18 =	vsel vm0, s20, v18;
	v16 =	vsel vm2, s8, v16;
	s8 =	sshrl.u32 s18, $0x1F;
	v17 =	vsel vm0, s14, v17  }
0x7b: {  	s4 =	sshra.s32 s3, $0x8;
	s12 =	sshra.s32 s16, $0x8;
	v11 =	vsel vm14, s10, v11;
	v13 =	vsel vm7, s0, v13;
	s14 =	sshrl.u32 s31, $0x1F;
	v17 =	vsel vm1, s8, v17  }
0x7c: {  	s20 =	sshrl.u32 s29, $0x1F;
	v15 =	vsel vm2, s5, v15;
	v13 =	vsel vm8, s12, v13;
	s12 =	sshrl.u32 s30, $0x1F;
	v17 =	vsel vm2, s14, v17;
	s14 =	sshra.s32 s17, $0x7  }
0x7d: {  	v54 =	vperm.xlane v11, v1;
	s2 =	smul.u32 $0x10624DD3, s2;
	s6 =	sshra.s32 s16, $0x1F;
	v18 =	vsel vm1, s12, v18;
	s21 =	sshrl.u32 s26, $0x1F;
	v12 =	vsel vm3, s14, v12  }
0x7e: {  	v13 =	vsel vm9, s6, v13;
	v18 =	vsel vm2, s20, v18;
	s20 =	sshra.s32 s25, $0x7;
	s25 =	sshra.s32 s26, $0x7;
	s26 =	sshra.s32 s19, $0x7;
	v12 =	vsel vm4, s15, v12  }
0x7f: {  	s13 =	sshrl.u32 s23, $0x1F;
	v56 =	vsel vm15, v54, v9;
	v13 =	vsel vm10, s4, v13;
	s4 =	sshra.s32 s3, $0x1F;
	v12 =	vsel vm0, s26, v12  }
0x80: {  	s5 =	sadd.s32 s2, s11;
	s11 =	sshra.s32 s18, $0x7;
	v13 =	vsel vm11, s4, v13;
	v19 =	vmov s21;
	s8 =	sshrl.u32 s16, $0x1F;
	v12 =	vsel vm5, s1, v12  }
0x81: {  	v19 =	vsel vm0, s13, v19;
	s13 =	sshrl.u32 s3, $0x1F;
	v17 =	vsel vm8, s8, v17;
	v12 =	vsel vm1, s11, v12  }
0x82: {  	s2 =	sshra.s32 s5, $0x8;
	v20 =	vmov s20;
	v17 =	vsel vm10, s13, v17;
	s13 =	sshra.s32 s31, $0x7;
	v12 =	vsel vm6, s9, v12  }
0x83: {  	s21 =	sshrl.u32 s24, $0x1F;
	v21 =	vmov s25;
	v13 =	vsel vm12, s2, v13;
	v52 =	vsel vm2, s13, v12  }
0x84: {  	s12 =	sshrl.u32 s7, $0x1F;
	v57 =	vcombine.low v16, v15;
	v19 =	vsel vm1, s21, v19;
	s21 =	sshra.s32 s28, $0x7;
	s14 =	sshra.s32 s16, $0x7;
	v5 =	vsel vm7, s0, v52  }
0x85: {  	s28 =	sshra.s32 s30, $0x7;
	s30 =	sshra.s32 s23, $0x7;
	v19 =	vsel vm2, s12, v19;
	v20 =	vsel vm0, s21, v20;
	v5 =	vsel vm8, s14, v5  }
0x86: {  	s10 =	sshra.s32 s24, $0x7;
	v21 =	vsel vm0, s30, v21;
	v20 =	vsel vm1, s28, v20;
	s15 =	sshra.s32 s3, $0x7;
	v5 =	vsel vm9, s6, v5  }
0x87: {  	s12 =	sshra.s32 s7, $0x7;
	s8 =	sshra.s32 s29, $0x7;
	v21 =	vsel vm1, s10, v21;
	v58 =	vcombine.low v19, v18;
	v5 =	vsel vm10, s15, v5  }
0x88: {  	s17 =	sshrl.u32 s5, $0x1F;
	s16 =	sshra.s32 s5, $0x7;
	v20 =	vsel vm2, s8, v20;
	v21 =	vsel vm2, s12, v21;
	v5 =	vsel vm11, s4, v5  }
0x89: {  	v17 =	vsel vm12, s17, v17;
	v59 =	vcombine.low v21, v20;
	s17 =	sshra.s32 s5, $0x1F;
	v5 =	vsel vm12, s16, v5  }
0x8a: {  	s19 =	sshra.s32 s22, $0x7;
	s18 =	sshrl.u32 s22, $0x1F;
	v9 =	vperm.xlane v58, v0;
	v60 =	vsel vm13, s17, v13;
	v5 =	vsel vm13, s17, v5  }
0x8b: {  	s20 =	sshra.s32 s22, $0x8;
	v61 =	vsel vm14, s18, v17;
	v10 =	vperm.xlane v59, v0;
	v5 =	vsel vm14, s19, v5  }
0x8c: {  	v11 =	vsel vm14, s20, v60;
	v12 =	vperm.xlane v61, v1;
	v5 =	vperm.xlane v5, v1  }
0x8d: {  	v4 =	vadd.s32 v55, v4;
	v8 =	vperm.xlane v57, v0;
	v11 =	vperm.xlane v11, v1  }
0x8e: {  	v6 =	vadd.s32 v55, v56;
	v62 =	vsel vm15, v12, v9;
	v5 =	vsel vm15, v5, v10  }
0x8f: {  	v6 =	vmul.u32 $0x7D0, v6;
	v8 =	vsel vm15, v11, v8;
	v5 =	vadd.s32 v62, v5  }
0x90: {  	v4 =	vmul.u32 $0x7D0, v4;
	v7 =	vadd.s32 v62, v8;
	v5 =	vmul.u32 $0x7D0, v5  }
0x91: {  	s22 =	rddreg [dreg:$0x5];
	v2 =	vsub.s32 v2, v6;
	v63 =	vmul.u32 $0x7D0, v7  }
0x92: {  	s25 =	rddreg [dreg:$0x8];
	v2 =	vadd.s32 v2, v4;
	v3 =	vsub.s32 v3, v5  }
0x93: {  	s23 =	rddreg [dreg:$0x6];
	[tilespmem:$0x80] =	vst v2;
	v2 =	vadd.s32 v3, v63  }
0x94: {  	s24 =	simm.s32 $0x100;
	s21 =	rddreg [dreg:$0x4];
	s26 =	simm.s32 $0x1;
	[tilespmem:$0x90] =	vst v2  }
0x95: {  	[tilespmem:s24], [sflag:$0x1] =	stream.indirect.gather [hbm4b:s21+s23], $0x80, s22, s23, $0xb8;
	[tilespmem:$0x1100] =	vst v63  }
0x96: {  	p0 =	sne.s32 s25, $0x1;
	_ =	swait.ge [sflag:s26], $0x1000  }
0x97: {  	s30 =	simm.s32 $0x2;
	s29 =	simm.s32 $0x0;
	[sflag:s26] =	ssyncset.done $0x0  }
.Ltmp0:
0x98: {  	s28 =	rddreg [dreg:$0x7];
	[sflag:s26] =	ssyncadd.s32 $0xFFFFF000;
	(pc) =	sbr.rel @p0 .LBB2_1-.Ltmp0, $4  }
0x99: {  	[hbm4b:s28+s29] =	stream.linear.scatter [tilespmem:s24], [sflag:$0x2], $0x1000, $0x38;
	[tilespmem:$0x1100] =	vst v63  }
0x9a: {  	_ =	swait.ge [sflag:s30], $0x1000  }
0x9b: {  	s31 =	simm.s32 $0x2;
	[sflag:s30] =	ssyncset.done $0x0  }
0x9c: {  	s1 =	sadd.s32 $0xFFFFFFFF, s25;
	[sflag:s31] =	ssyncadd.s32 $0xFFFFF000  }
0x9d: {  	_ =	sfence.sel $0x180000  }
0x9e: {  	[bflag:$0x0] =	sbarrier.arrive $0xFFFF  }
0x9f: {  	_ =	strace $0x90000047  }
0xa0: {  	s0 =	stileid.u32;
	[bflag:$0x2] =	sbarrier.arrive $0xFFFF  }
0xa1: {  	p0 =	sne.s32 s0, $0x0;
	s0 =	rddreg [dreg:$0x2]  }
0xa2: {  	s0 =	sadd.s32 @!p0 $0x100000, s0  }
0xa3: {  	[sflag:s0] =	ssyncadd.tile.s32 @!p0 $0x1;
	_ =	shalt  }
.Lfunc_end2:
_tile_overlayer_lowered:
.L_overlay_start_2:
0xa4: {  	(tag) =	ssettag $0x2  }
0xa5: {  	s0 =	rddreg [dreg:$0x0];
	s2 =	stileid.u32  }
0xa6: {  	s1 =	rddreg [dreg:$0x1];
	p0 =	sne.s32 s2, $0x0  }
0xa7: {  	s3 =	rddreg [dreg:$0x2];
	[bflag:$0x3] =	sbarrier.arrive $0xFFFF;
	s2 =	simm.s32 @!p0 $0x1C02  }
0xa8: {  	[timem:s3], [sflag:s2] =	dma.local @!p0 [hbm:s0], s1  }
0xa9: {  	s0 =	simm.s32 @!p0 $0x2  }
0xaa: {  	_ =	swait.ge @!p0 [sflag:s0], s1  }
0xab: {  	s1 =	ssub.s32 @!p0 $0x0, s1;
	[sflag:s0] =	ssyncset.done @!p0 $0x0  }
0xac: {  	[sflag:s0] =	ssyncadd.s32 @!p0 s1  }
0xad: {  	[bflag:$0x3] =	sbarrier.arrive $0xFFFF  }
0xae: {  	_ =	shalt  }

</sc_bundles>
